<compile_context>
chip_gen: v7x
topology: tpu7x:2x2x1
jax: 0.10.2.dev20260603
libtpu: 0.0.44.dev20260713+nightly
codegen_flags: <defaults>
</compile_context>

<pallas_src>
import functools

import jax
import jax.numpy as jnp
from jax import lax
from jax.experimental import pallas as pl
from jax.experimental.pallas import tpu as pltpu
from jax.experimental.pallas import tpu_sc as plsc

N_EXPERT = 16
DIM_IN = 2048
TILE = 1024

_NC = 2
_NS = 16
_NW = _NC * _NS


def _logits_kernel(x_ref, wt_ref, out_ref):
    out_ref[...] = jax.lax.dot_general(
        x_ref[...], wt_ref[...], (((1,), (0,)), ((), ())),
        preferred_element_type=jnp.float32,
    )


def _make_sc_gating(tokens):
    t_per_w = tokens // _NW
    mesh = plsc.VectorSubcoreMesh(core_axis_name="c", subcore_axis_name="s")

    @functools.partial(
        pl.kernel,
        mesh=mesh,
        out_type=[
            jax.ShapeDtypeStruct((tokens, N_EXPERT), jnp.float32),
            jax.ShapeDtypeStruct((tokens, N_EXPERT), jnp.int32),
        ],
        scratch_types=[
            pltpu.VMEM((t_per_w, N_EXPERT), jnp.float32),
            pltpu.VMEM((t_per_w, N_EXPERT), jnp.float32),
            pltpu.VMEM((t_per_w, N_EXPERT), jnp.int32),
        ],
    )
    def gate(logits_hbm, cw_hbm, ei_hbm, rows_v, cw_v, ei_v):
        wid = lax.axis_index("s") * _NC + lax.axis_index("c")
        base = wid * t_per_w
        pltpu.sync_copy(logits_hbm.at[pl.ds(base, t_per_w)], rows_v)

        iota = lax.iota(jnp.int32, N_EXPERT)
        perms = [iota ^ s for s in (1, 2, 4, 8)]

        def allreduce(v, op):
            for p in perms:
                v = op(v, v.at[p].get(mode="promise_in_bounds"))
            return v

        def body(i, carry):
            l = rows_v[i]
            m1 = allreduce(l, jnp.maximum)
            idx1 = allreduce(
                jnp.where(l == m1, iota, N_EXPERT), jnp.minimum
            )
            masked = jnp.where(iota == idx1, -jnp.inf, l)
            m2 = allreduce(masked, jnp.maximum)
            idx2 = allreduce(
                jnp.where(masked == m2, iota, N_EXPERT), jnp.minimum
            )
            z = allreduce(jnp.exp(l - m1), jnp.add)
            p1 = 1.0 / z
            p2 = jnp.exp(m2 - m1) / z
            den = p1 + p2 + 1e-09
            lane0 = iota == 0
            lane1 = iota == 1
            cw_v[i] = jnp.where(
                lane0, p1 / den, jnp.where(lane1, p2 / den, 0.0)
            )
            ei_v[i] = jnp.where(lane0, idx1, jnp.where(lane1, idx2, 0))
            return carry

        lax.fori_loop(0, t_per_w, body, 0)
        pltpu.sync_copy(cw_v, cw_hbm.at[pl.ds(base, t_per_w)])
        pltpu.sync_copy(ei_v, ei_hbm.at[pl.ds(base, t_per_w)])

    return gate


def kernel(x, W):
    b, n, d = x.shape
    tokens = b * n
    xf = x.reshape(tokens, d)
    wt = W.T
    logits = pl.pallas_call(
        _logits_kernel,
        grid=(tokens // TILE,),
        in_specs=[
            pl.BlockSpec((TILE, d), lambda i: (i, 0)),
            pl.BlockSpec((d, N_EXPERT), lambda i: (0, 0)),
        ],
        out_specs=pl.BlockSpec((TILE, N_EXPERT), lambda i: (i, 0)),
        out_shape=jax.ShapeDtypeStruct((tokens, N_EXPERT), jnp.float32),
        compiler_params=pltpu.CompilerParams(
            dimension_semantics=("parallel",),
        ),
    )(xf, wt)
    cw_pad, ei_pad = _make_sc_gating(tokens)(logits)
    return (
        cw_pad[:, :2].reshape(b, n, 2),
        ei_pad[:, :2].reshape(b, n, 2),
    )

# --- scband reference (transcript-rebuilt; emitter-appended) ---
"""Pipeline reference for scband-top2-gating-26276609917521 (READ-ONLY COPY).

The authoritative reference and input builder live on the scoring server;
editing this copy changes nothing except your own understanding.
"""

import jax, jax.numpy as jnp
import numpy as np

N_EXPERT = 16
DIM_IN = 2048


def setup_inputs(seed: int = 0) -> dict:
    key = jax.random.key(seed)
    kx, kw = jax.random.split(key)
    x = jax.random.normal(kx, (4, 2048, DIM_IN), dtype=jnp.float32)
    # nn.Linear(dim_in, n_expert, bias=False) weight: [n_expert, dim_in]
    bound = 1.0 / np.sqrt(DIM_IN)
    W = jax.random.uniform(kw, (N_EXPERT, DIM_IN), dtype=jnp.float32, minval=-bound, maxval=bound)
    return {"x": x, "W": W}


def reference(x, W):
    # logits = x @ W.T  (nn.Linear without bias)
    logits = jnp.einsum('bnd,ed->bne', x, W)
    probs = jax.nn.softmax(logits, axis=-1)
    top1_idx = jnp.argmax(probs, axis=-1)
    top1_val = jnp.take_along_axis(probs, top1_idx[..., None], axis=-1)[..., 0]
    # scatter -inf at top1 position (overwrite)
    mask = jax.nn.one_hot(top1_idx, N_EXPERT, dtype=jnp.bool_)
    masked_probs = jnp.where(mask, -jnp.inf, probs)
    top2_idx = jnp.argmax(masked_probs, axis=-1)
    top2_val = jnp.take_along_axis(masked_probs, top2_idx[..., None], axis=-1)[..., 0]
    denom = top1_val + top2_val + 1e-09
    w1 = top1_val / denom
    w2 = top2_val / denom
    expert_index = jnp.stack([top1_idx, top2_idx], axis=-1)
    combine_weights = jnp.stack([w1, w2], axis=-1)
    return (combine_weights, expert_index)

if __name__ == "__main__":
    import jax
    _d = setup_inputs()
    print(jax.jit(kernel)(*tuple(_d.values())))

</pallas_src>

<mosaic_0001>
#map = affine_map<(d0, d1) -> (0, 0)>
module attributes {stable_mosaic.version = 14 : i64} {
  func.func @gate(%arg0: i32, %arg1: i32, %arg2: memref<8192x16xf32, #tpu.memory_space<hbm>>, %arg3: memref<8192x16xf32, #tpu.memory_space<hbm>>, %arg4: memref<8192x16xi32, #tpu.memory_space<hbm>>, %arg5: memref<256x16xf32, #tpu.memory_space<vmem>>, %arg6: memref<256x16xf32, #tpu.memory_space<vmem>>, %arg7: memref<256x16xi32, #tpu.memory_space<vmem>>) attributes {dimension_semantics = [#tpu.dimension_semantics<core_parallel>, #tpu.dimension_semantics<subcore_parallel>], iteration_bounds = array<i64: 2, 16>, scalar_prefetch = 0 : i64, scratch_operands = 3 : i64, tpu.core_type = #tpu.core_type<sc_vector_subcore>, window_params = [{transform_indices = #map}, {transform_indices = #map}, {transform_indices = #map}]} {
    %mul3A = arith.constant 2 : i32
    %mul3A_0 = arith.muli %arg1, %mul3A : i32
    %add3A = arith.addi %mul3A_0, %arg0 : i32
    %mul3A_1 = arith.constant 256 : i32
    %mul3A_2 = arith.muli %add3A, %mul3A_1 : i32
    "tpu.region"() ({
      %run_scoped3A = tpu.sem_alloc : memref<!tpu.dma_semaphore, #tpu.memory_space<semaphore_mem>>
      %dma_start3A = arith.constant 0 : i32
      %dma_start3A_19 = tpu.memref_slice %arg2[%mul3A_2, %dma_start3A] : memref<8192x16xf32, #tpu.memory_space<hbm>> -> memref<256x16xf32, #tpu.memory_space<hbm>>
      %dma_start3A_20 = arith.constant 0 : i32
      %dma_start3A_21 = tpu.memref_slice %arg2[%mul3A_2, %dma_start3A_20] : memref<8192x16xf32, #tpu.memory_space<hbm>> -> memref<256x16xf32, #tpu.memory_space<hbm>>
      tpu.enqueue_dma source(%dma_start3A_21 : memref<256x16xf32, #tpu.memory_space<hbm>>) target(%arg5 : memref<256x16xf32, #tpu.memory_space<vmem>>) target_semaphore(%run_scoped3A : memref<!tpu.dma_semaphore, #tpu.memory_space<semaphore_mem>>)
      %dma_wait3A = arith.constant 0 : i32
      %dma_wait3A_22 = tpu.memref_slice %arg2[%mul3A_2, %dma_wait3A] : memref<8192x16xf32, #tpu.memory_space<hbm>> -> memref<256x16xf32, #tpu.memory_space<hbm>>
      %dma_wait3A_23 = arith.constant 0 : i32
      %dma_wait3A_24 = tpu.memref_slice %arg2[%mul3A_2, %dma_wait3A_23] : memref<8192x16xf32, #tpu.memory_space<hbm>> -> memref<256x16xf32, #tpu.memory_space<hbm>>
      tpu.wait_dma2 semaphore(%run_scoped3A : memref<!tpu.dma_semaphore, #tpu.memory_space<semaphore_mem>>) src(%dma_wait3A_24 : memref<256x16xf32, #tpu.memory_space<hbm>>) dst(%arg5 : memref<256x16xf32, #tpu.memory_space<vmem>>)
      tpu.yield
    }) : () -> ()
    %iota3A = tpu.iota {dimensions = array<i32: 0>} : vector<16xi32>
    %xor3A = arith.constant 1 : i32
    %xor3A_3 = vector.broadcast %xor3A : i32 to vector<16xi32>
    %xor3A_4 = arith.xori %iota3A, %xor3A_3 : vector<16xi32>
    %xor3A_5 = arith.constant 2 : i32
    %xor3A_6 = vector.broadcast %xor3A_5 : i32 to vector<16xi32>
    %xor3A_7 = arith.xori %iota3A, %xor3A_6 : vector<16xi32>
    %xor3A_8 = arith.constant 4 : i32
    %xor3A_9 = vector.broadcast %xor3A_8 : i32 to vector<16xi32>
    %xor3A_10 = arith.xori %iota3A, %xor3A_9 : vector<16xi32>
    %xor3A_11 = arith.constant 8 : i32
    %xor3A_12 = vector.broadcast %xor3A_11 : i32 to vector<16xi32>
    %xor3A_13 = arith.xori %iota3A, %xor3A_12 : vector<16xi32>
    %scan3A = arith.constant 0 : i32
    %scan3A_14 = arith.constant 0 : i32
    %scan3A_15 = arith.constant 256 : i32
    %scan3A_16 = arith.addi %scan3A_14, %scan3A_15 : i32
    %scan3A_17 = arith.constant 1 : i32
    scf.for %scan3A_19 = %scan3A_14 to %scan3A_16 step %scan3A_17  : i32 {
      %get3A = arith.index_cast %scan3A_19 : i32 to index
      %get3A_20 = arith.constant 0 : index
      %get3A_21 = tpu.vector_load %arg5[%get3A, %get3A_20] {strides = array<i32>} : memref<256x16xf32, #tpu.memory_space<vmem>>, vector<1x16xf32>,
      %get3A_22 = vector.shape_cast %get3A_21 : vector<1x16xf32> to vector<16xf32>
      %lt3A = arith.constant 0 : i32
      %lt3A_23 = vector.broadcast %lt3A : i32 to vector<16xi32>
      %lt3A_24 = arith.cmpi slt, %xor3A_4, %lt3A_23 : vector<16xi32>
      %add3A_25 = arith.constant 16 : i32
      %add3A_26 = vector.broadcast %add3A_25 : i32 to vector<16xi32>
      %add3A_27 = arith.addi %xor3A_4, %add3A_26 : vector<16xi32>
      %select_n3A = arith.select %lt3A_24, %add3A_27, %xor3A_4 : vector<16xi1>, vector<16xi32>
      %broadcast_in_dim3A = vector.shape_cast %select_n3A : vector<16xi32> to vector<16x1xi32>
      %gather3A = vector.shape_cast %broadcast_in_dim3A : vector<16x1xi32> to vector<16xi32>
      %gather3A_28 = tpu.dynamic_gather %get3A_22[%gather3A] in [0] : vector<16xf32>, vector<16xi32> -> vector<16xf32>
      %max3A = arith.maximumf %get3A_22, %gather3A_28 : vector<16xf32>
      %lt3A_29 = arith.constant 0 : i32
      %lt3A_30 = vector.broadcast %lt3A_29 : i32 to vector<16xi32>
      %lt3A_31 = arith.cmpi slt, %xor3A_7, %lt3A_30 : vector<16xi32>
      %add3A_32 = arith.constant 16 : i32
      %add3A_33 = vector.broadcast %add3A_32 : i32 to vector<16xi32>
      %add3A_34 = arith.addi %xor3A_7, %add3A_33 : vector<16xi32>
      %select_n3A_35 = arith.select %lt3A_31, %add3A_34, %xor3A_7 : vector<16xi1>, vector<16xi32>
      %broadcast_in_dim3A_36 = vector.shape_cast %select_n3A_35 : vector<16xi32> to vector<16x1xi32>
      %gather3A_37 = vector.shape_cast %broadcast_in_dim3A_36 : vector<16x1xi32> to vector<16xi32>
      %gather3A_38 = tpu.dynamic_gather %max3A[%gather3A_37] in [0] : vector<16xf32>, vector<16xi32> -> vector<16xf32>
      %max3A_39 = arith.maximumf %max3A, %gather3A_38 : vector<16xf32>
      %lt3A_40 = arith.constant 0 : i32
      %lt3A_41 = vector.broadcast %lt3A_40 : i32 to vector<16xi32>
      %lt3A_42 = arith.cmpi slt, %xor3A_10, %lt3A_41 : vector<16xi32>
      %add3A_43 = arith.constant 16 : i32
      %add3A_44 = vector.broadcast %add3A_43 : i32 to vector<16xi32>
      %add3A_45 = arith.addi %xor3A_10, %add3A_44 : vector<16xi32>
      %select_n3A_46 = arith.select %lt3A_42, %add3A_45, %xor3A_10 : vector<16xi1>, vector<16xi32>
      %broadcast_in_dim3A_47 = vector.shape_cast %select_n3A_46 : vector<16xi32> to vector<16x1xi32>
      %gather3A_48 = vector.shape_cast %broadcast_in_dim3A_47 : vector<16x1xi32> to vector<16xi32>
      %gather3A_49 = tpu.dynamic_gather %max3A_39[%gather3A_48] in [0] : vector<16xf32>, vector<16xi32> -> vector<16xf32>
      %max3A_50 = arith.maximumf %max3A_39, %gather3A_49 : vector<16xf32>
      %lt3A_51 = arith.constant 0 : i32
      %lt3A_52 = vector.broadcast %lt3A_51 : i32 to vector<16xi32>
      %lt3A_53 = arith.cmpi slt, %xor3A_13, %lt3A_52 : vector<16xi32>
      %add3A_54 = arith.constant 16 : i32
      %add3A_55 = vector.broadcast %add3A_54 : i32 to vector<16xi32>
      %add3A_56 = arith.addi %xor3A_13, %add3A_55 : vector<16xi32>
      %select_n3A_57 = arith.select %lt3A_53, %add3A_56, %xor3A_13 : vector<16xi1>, vector<16xi32>
      %broadcast_in_dim3A_58 = vector.shape_cast %select_n3A_57 : vector<16xi32> to vector<16x1xi32>
      %gather3A_59 = vector.shape_cast %broadcast_in_dim3A_58 : vector<16x1xi32> to vector<16xi32>
      %gather3A_60 = tpu.dynamic_gather %max3A_50[%gather3A_59] in [0] : vector<16xf32>, vector<16xi32> -> vector<16xf32>
      %max3A_61 = arith.maximumf %max3A_50, %gather3A_60 : vector<16xf32>
      %eq3A = arith.cmpf oeq, %get3A_22, %max3A_61 : vector<16xf32>
      %jit3A = arith.constant 16 : i32
      %broadcast_in_dim3A_62 = vector.broadcast %jit3A : i32 to vector<16xi32>
      %select_n3A_63 = arith.select %eq3A, %iota3A, %broadcast_in_dim3A_62 : vector<16xi1>, vector<16xi32>
      %lt3A_64 = arith.constant 0 : i32
      %lt3A_65 = vector.broadcast %lt3A_64 : i32 to vector<16xi32>
      %lt3A_66 = arith.cmpi slt, %xor3A_4, %lt3A_65 : vector<16xi32>
      %add3A_67 = arith.constant 16 : i32
      %add3A_68 = vector.broadcast %add3A_67 : i32 to vector<16xi32>
      %add3A_69 = arith.addi %xor3A_4, %add3A_68 : vector<16xi32>
      %select_n3A_70 = arith.select %lt3A_66, %add3A_69, %xor3A_4 : vector<16xi1>, vector<16xi32>
      %broadcast_in_dim3A_71 = vector.shape_cast %select_n3A_70 : vector<16xi32> to vector<16x1xi32>
      %gather3A_72 = vector.shape_cast %broadcast_in_dim3A_71 : vector<16x1xi32> to vector<16xi32>
      %gather3A_73 = tpu.dynamic_gather %select_n3A_63[%gather3A_72] in [0] : vector<16xi32>, vector<16xi32> -> vector<16xi32>
      %min3A = arith.minsi %select_n3A_63, %gather3A_73 : vector<16xi32>
      %lt3A_74 = arith.constant 0 : i32
      %lt3A_75 = vector.broadcast %lt3A_74 : i32 to vector<16xi32>
      %lt3A_76 = arith.cmpi slt, %xor3A_7, %lt3A_75 : vector<16xi32>
      %add3A_77 = arith.constant 16 : i32
      %add3A_78 = vector.broadcast %add3A_77 : i32 to vector<16xi32>
      %add3A_79 = arith.addi %xor3A_7, %add3A_78 : vector<16xi32>
      %select_n3A_80 = arith.select %lt3A_76, %add3A_79, %xor3A_7 : vector<16xi1>, vector<16xi32>
      %broadcast_in_dim3A_81 = vector.shape_cast %select_n3A_80 : vector<16xi32> to vector<16x1xi32>
      %gather3A_82 = vector.shape_cast %broadcast_in_dim3A_81 : vector<16x1xi32> to vector<16xi32>
      %gather3A_83 = tpu.dynamic_gather %min3A[%gather3A_82] in [0] : vector<16xi32>, vector<16xi32> -> vector<16xi32>
      %min3A_84 = arith.minsi %min3A, %gather3A_83 : vector<16xi32>
      %lt3A_85 = arith.constant 0 : i32
      %lt3A_86 = vector.broadcast %lt3A_85 : i32 to vector<16xi32>
      %lt3A_87 = arith.cmpi slt, %xor3A_10, %lt3A_86 : vector<16xi32>
      %add3A_88 = arith.constant 16 : i32
      %add3A_89 = vector.broadcast %add3A_88 : i32 to vector<16xi32>
      %add3A_90 = arith.addi %xor3A_10, %add3A_89 : vector<16xi32>
      %select_n3A_91 = arith.select %lt3A_87, %add3A_90, %xor3A_10 : vector<16xi1>, vector<16xi32>
      %broadcast_in_dim3A_92 = vector.shape_cast %select_n3A_91 : vector<16xi32> to vector<16x1xi32>
      %gather3A_93 = vector.shape_cast %broadcast_in_dim3A_92 : vector<16x1xi32> to vector<16xi32>
      %gather3A_94 = tpu.dynamic_gather %min3A_84[%gather3A_93] in [0] : vector<16xi32>, vector<16xi32> -> vector<16xi32>
      %min3A_95 = arith.minsi %min3A_84, %gather3A_94 : vector<16xi32>
      %lt3A_96 = arith.constant 0 : i32
      %lt3A_97 = vector.broadcast %lt3A_96 : i32 to vector<16xi32>
      %lt3A_98 = arith.cmpi slt, %xor3A_13, %lt3A_97 : vector<16xi32>
      %add3A_99 = arith.constant 16 : i32
      %add3A_100 = vector.broadcast %add3A_99 : i32 to vector<16xi32>
      %add3A_101 = arith.addi %xor3A_13, %add3A_100 : vector<16xi32>
      %select_n3A_102 = arith.select %lt3A_98, %add3A_101, %xor3A_13 : vector<16xi1>, vector<16xi32>
      %broadcast_in_dim3A_103 = vector.shape_cast %select_n3A_102 : vector<16xi32> to vector<16x1xi32>
      %gather3A_104 = vector.shape_cast %broadcast_in_dim3A_103 : vector<16x1xi32> to vector<16xi32>
      %gather3A_105 = tpu.dynamic_gather %min3A_95[%gather3A_104] in [0] : vector<16xi32>, vector<16xi32> -> vector<16xi32>
      %min3A_106 = arith.minsi %min3A_95, %gather3A_105 : vector<16xi32>
      %eq3A_107 = arith.cmpi eq, %iota3A, %min3A_106 : vector<16xi32>
      %jit3A_108 = arith.constant 0xFF800000 : f32
      %broadcast_in_dim3A_109 = vector.broadcast %jit3A_108 : f32 to vector<16xf32>
      %select_n3A_110 = arith.select %eq3A_107, %broadcast_in_dim3A_109, %get3A_22 : vector<16xi1>, vector<16xf32>
      %lt3A_111 = arith.constant 0 : i32
      %lt3A_112 = vector.broadcast %lt3A_111 : i32 to vector<16xi32>
      %lt3A_113 = arith.cmpi slt, %xor3A_4, %lt3A_112 : vector<16xi32>
      %add3A_114 = arith.constant 16 : i32
      %add3A_115 = vector.broadcast %add3A_114 : i32 to vector<16xi32>
      %add3A_116 = arith.addi %xor3A_4, %add3A_115 : vector<16xi32>
      %select_n3A_117 = arith.select %lt3A_113, %add3A_116, %xor3A_4 : vector<16xi1>, vector<16xi32>
      %broadcast_in_dim3A_118 = vector.shape_cast %select_n3A_117 : vector<16xi32> to vector<16x1xi32>
      %gather3A_119 = vector.shape_cast %broadcast_in_dim3A_118 : vector<16x1xi32> to vector<16xi32>
      %gather3A_120 = tpu.dynamic_gather %select_n3A_110[%gather3A_119] in [0] : vector<16xf32>, vector<16xi32> -> vector<16xf32>
      %max3A_121 = arith.maximumf %select_n3A_110, %gather3A_120 : vector<16xf32>
      %lt3A_122 = arith.constant 0 : i32
      %lt3A_123 = vector.broadcast %lt3A_122 : i32 to vector<16xi32>
      %lt3A_124 = arith.cmpi slt, %xor3A_7, %lt3A_123 : vector<16xi32>
      %add3A_125 = arith.constant 16 : i32
      %add3A_126 = vector.broadcast %add3A_125 : i32 to vector<16xi32>
      %add3A_127 = arith.addi %xor3A_7, %add3A_126 : vector<16xi32>
      %select_n3A_128 = arith.select %lt3A_124, %add3A_127, %xor3A_7 : vector<16xi1>, vector<16xi32>
      %broadcast_in_dim3A_129 = vector.shape_cast %select_n3A_128 : vector<16xi32> to vector<16x1xi32>
      %gather3A_130 = vector.shape_cast %broadcast_in_dim3A_129 : vector<16x1xi32> to vector<16xi32>
      %gather3A_131 = tpu.dynamic_gather %max3A_121[%gather3A_130] in [0] : vector<16xf32>, vector<16xi32> -> vector<16xf32>
      %max3A_132 = arith.maximumf %max3A_121, %gather3A_131 : vector<16xf32>
      %lt3A_133 = arith.constant 0 : i32
      %lt3A_134 = vector.broadcast %lt3A_133 : i32 to vector<16xi32>
      %lt3A_135 = arith.cmpi slt, %xor3A_10, %lt3A_134 : vector<16xi32>
      %add3A_136 = arith.constant 16 : i32
      %add3A_137 = vector.broadcast %add3A_136 : i32 to vector<16xi32>
      %add3A_138 = arith.addi %xor3A_10, %add3A_137 : vector<16xi32>
      %select_n3A_139 = arith.select %lt3A_135, %add3A_138, %xor3A_10 : vector<16xi1>, vector<16xi32>
      %broadcast_in_dim3A_140 = vector.shape_cast %select_n3A_139 : vector<16xi32> to vector<16x1xi32>
      %gather3A_141 = vector.shape_cast %broadcast_in_dim3A_140 : vector<16x1xi32> to vector<16xi32>
      %gather3A_142 = tpu.dynamic_gather %max3A_132[%gather3A_141] in [0] : vector<16xf32>, vector<16xi32> -> vector<16xf32>
      %max3A_143 = arith.maximumf %max3A_132, %gather3A_142 : vector<16xf32>
      %lt3A_144 = arith.constant 0 : i32
      %lt3A_145 = vector.broadcast %lt3A_144 : i32 to vector<16xi32>
      %lt3A_146 = arith.cmpi slt, %xor3A_13, %lt3A_145 : vector<16xi32>
      %add3A_147 = arith.constant 16 : i32
      %add3A_148 = vector.broadcast %add3A_147 : i32 to vector<16xi32>
      %add3A_149 = arith.addi %xor3A_13, %add3A_148 : vector<16xi32>
      %select_n3A_150 = arith.select %lt3A_146, %add3A_149, %xor3A_13 : vector<16xi1>, vector<16xi32>
      %broadcast_in_dim3A_151 = vector.shape_cast %select_n3A_150 : vector<16xi32> to vector<16x1xi32>
      %gather3A_152 = vector.shape_cast %broadcast_in_dim3A_151 : vector<16x1xi32> to vector<16xi32>
      %gather3A_153 = tpu.dynamic_gather %max3A_143[%gather3A_152] in [0] : vector<16xf32>, vector<16xi32> -> vector<16xf32>
      %max3A_154 = arith.maximumf %max3A_143, %gather3A_153 : vector<16xf32>
      %eq3A_155 = arith.cmpf oeq, %select_n3A_110, %max3A_154 : vector<16xf32>
      %jit3A_156 = arith.constant 16 : i32
      %broadcast_in_dim3A_157 = vector.broadcast %jit3A_156 : i32 to vector<16xi32>
      %select_n3A_158 = arith.select %eq3A_155, %iota3A, %broadcast_in_dim3A_157 : vector<16xi1>, vector<16xi32>
      %lt3A_159 = arith.constant 0 : i32
      %lt3A_160 = vector.broadcast %lt3A_159 : i32 to vector<16xi32>
      %lt3A_161 = arith.cmpi slt, %xor3A_4, %lt3A_160 : vector<16xi32>
      %add3A_162 = arith.constant 16 : i32
      %add3A_163 = vector.broadcast %add3A_162 : i32 to vector<16xi32>
      %add3A_164 = arith.addi %xor3A_4, %add3A_163 : vector<16xi32>
      %select_n3A_165 = arith.select %lt3A_161, %add3A_164, %xor3A_4 : vector<16xi1>, vector<16xi32>
      %broadcast_in_dim3A_166 = vector.shape_cast %select_n3A_165 : vector<16xi32> to vector<16x1xi32>
      %gather3A_167 = vector.shape_cast %broadcast_in_dim3A_166 : vector<16x1xi32> to vector<16xi32>
      %gather3A_168 = tpu.dynamic_gather %select_n3A_158[%gather3A_167] in [0] : vector<16xi32>, vector<16xi32> -> vector<16xi32>
      %min3A_169 = arith.minsi %select_n3A_158, %gather3A_168 : vector<16xi32>
      %lt3A_170 = arith.constant 0 : i32
      %lt3A_171 = vector.broadcast %lt3A_170 : i32 to vector<16xi32>
      %lt3A_172 = arith.cmpi slt, %xor3A_7, %lt3A_171 : vector<16xi32>
      %add3A_173 = arith.constant 16 : i32
      %add3A_174 = vector.broadcast %add3A_173 : i32 to vector<16xi32>
      %add3A_175 = arith.addi %xor3A_7, %add3A_174 : vector<16xi32>
      %select_n3A_176 = arith.select %lt3A_172, %add3A_175, %xor3A_7 : vector<16xi1>, vector<16xi32>
      %broadcast_in_dim3A_177 = vector.shape_cast %select_n3A_176 : vector<16xi32> to vector<16x1xi32>
      %gather3A_178 = vector.shape_cast %broadcast_in_dim3A_177 : vector<16x1xi32> to vector<16xi32>
      %gather3A_179 = tpu.dynamic_gather %min3A_169[%gather3A_178] in [0] : vector<16xi32>, vector<16xi32> -> vector<16xi32>
      %min3A_180 = arith.minsi %min3A_169, %gather3A_179 : vector<16xi32>
      %lt3A_181 = arith.constant 0 : i32
      %lt3A_182 = vector.broadcast %lt3A_181 : i32 to vector<16xi32>
      %lt3A_183 = arith.cmpi slt, %xor3A_10, %lt3A_182 : vector<16xi32>
      %add3A_184 = arith.constant 16 : i32
      %add3A_185 = vector.broadcast %add3A_184 : i32 to vector<16xi32>
      %add3A_186 = arith.addi %xor3A_10, %add3A_185 : vector<16xi32>
      %select_n3A_187 = arith.select %lt3A_183, %add3A_186, %xor3A_10 : vector<16xi1>, vector<16xi32>
      %broadcast_in_dim3A_188 = vector.shape_cast %select_n3A_187 : vector<16xi32> to vector<16x1xi32>
      %gather3A_189 = vector.shape_cast %broadcast_in_dim3A_188 : vector<16x1xi32> to vector<16xi32>
      %gather3A_190 = tpu.dynamic_gather %min3A_180[%gather3A_189] in [0] : vector<16xi32>, vector<16xi32> -> vector<16xi32>
      %min3A_191 = arith.minsi %min3A_180, %gather3A_190 : vector<16xi32>
      %lt3A_192 = arith.constant 0 : i32
      %lt3A_193 = vector.broadcast %lt3A_192 : i32 to vector<16xi32>
      %lt3A_194 = arith.cmpi slt, %xor3A_13, %lt3A_193 : vector<16xi32>
      %add3A_195 = arith.constant 16 : i32
      %add3A_196 = vector.broadcast %add3A_195 : i32 to vector<16xi32>
      %add3A_197 = arith.addi %xor3A_13, %add3A_196 : vector<16xi32>
      %select_n3A_198 = arith.select %lt3A_194, %add3A_197, %xor3A_13 : vector<16xi1>, vector<16xi32>
      %broadcast_in_dim3A_199 = vector.shape_cast %select_n3A_198 : vector<16xi32> to vector<16x1xi32>
      %gather3A_200 = vector.shape_cast %broadcast_in_dim3A_199 : vector<16x1xi32> to vector<16xi32>
      %gather3A_201 = tpu.dynamic_gather %min3A_191[%gather3A_200] in [0] : vector<16xi32>, vector<16xi32> -> vector<16xi32>
      %min3A_202 = arith.minsi %min3A_191, %gather3A_201 : vector<16xi32>
      %sub3A = arith.subf %get3A_22, %max3A_61 : vector<16xf32>
      %exp3A = math.exp %sub3A : vector<16xf32>
      %lt3A_203 = arith.constant 0 : i32
      %lt3A_204 = vector.broadcast %lt3A_203 : i32 to vector<16xi32>
      %lt3A_205 = arith.cmpi slt, %xor3A_4, %lt3A_204 : vector<16xi32>
      %add3A_206 = arith.constant 16 : i32
      %add3A_207 = vector.broadcast %add3A_206 : i32 to vector<16xi32>
      %add3A_208 = arith.addi %xor3A_4, %add3A_207 : vector<16xi32>
      %select_n3A_209 = arith.select %lt3A_205, %add3A_208, %xor3A_4 : vector<16xi1>, vector<16xi32>
      %broadcast_in_dim3A_210 = vector.shape_cast %select_n3A_209 : vector<16xi32> to vector<16x1xi32>
      %gather3A_211 = vector.shape_cast %broadcast_in_dim3A_210 : vector<16x1xi32> to vector<16xi32>
      %gather3A_212 = tpu.dynamic_gather %exp3A[%gather3A_211] in [0] : vector<16xf32>, vector<16xi32> -> vector<16xf32>
      %add3A_213 = arith.addf %exp3A, %gather3A_212 : vector<16xf32>
      %lt3A_214 = arith.constant 0 : i32
      %lt3A_215 = vector.broadcast %lt3A_214 : i32 to vector<16xi32>
      %lt3A_216 = arith.cmpi slt, %xor3A_7, %lt3A_215 : vector<16xi32>
      %add3A_217 = arith.constant 16 : i32
      %add3A_218 = vector.broadcast %add3A_217 : i32 to vector<16xi32>
      %add3A_219 = arith.addi %xor3A_7, %add3A_218 : vector<16xi32>
      %select_n3A_220 = arith.select %lt3A_216, %add3A_219, %xor3A_7 : vector<16xi1>, vector<16xi32>
      %broadcast_in_dim3A_221 = vector.shape_cast %select_n3A_220 : vector<16xi32> to vector<16x1xi32>
      %gather3A_222 = vector.shape_cast %broadcast_in_dim3A_221 : vector<16x1xi32> to vector<16xi32>
      %gather3A_223 = tpu.dynamic_gather %add3A_213[%gather3A_222] in [0] : vector<16xf32>, vector<16xi32> -> vector<16xf32>
      %add3A_224 = arith.addf %add3A_213, %gather3A_223 : vector<16xf32>
      %lt3A_225 = arith.constant 0 : i32
      %lt3A_226 = vector.broadcast %lt3A_225 : i32 to vector<16xi32>
      %lt3A_227 = arith.cmpi slt, %xor3A_10, %lt3A_226 : vector<16xi32>
      %add3A_228 = arith.constant 16 : i32
      %add3A_229 = vector.broadcast %add3A_228 : i32 to vector<16xi32>
      %add3A_230 = arith.addi %xor3A_10, %add3A_229 : vector<16xi32>
      %select_n3A_231 = arith.select %lt3A_227, %add3A_230, %xor3A_10 : vector<16xi1>, vector<16xi32>
      %broadcast_in_dim3A_232 = vector.shape_cast %select_n3A_231 : vector<16xi32> to vector<16x1xi32>
      %gather3A_233 = vector.shape_cast %broadcast_in_dim3A_232 : vector<16x1xi32> to vector<16xi32>
      %gather3A_234 = tpu.dynamic_gather %add3A_224[%gather3A_233] in [0] : vector<16xf32>, vector<16xi32> -> vector<16xf32>
      %add3A_235 = arith.addf %add3A_224, %gather3A_234 : vector<16xf32>
      %lt3A_236 = arith.constant 0 : i32
      %lt3A_237 = vector.broadcast %lt3A_236 : i32 to vector<16xi32>
      %lt3A_238 = arith.cmpi slt, %xor3A_13, %lt3A_237 : vector<16xi32>
      %add3A_239 = arith.constant 16 : i32
      %add3A_240 = vector.broadcast %add3A_239 : i32 to vector<16xi32>
      %add3A_241 = arith.addi %xor3A_13, %add3A_240 : vector<16xi32>
      %select_n3A_242 = arith.select %lt3A_238, %add3A_241, %xor3A_13 : vector<16xi1>, vector<16xi32>
      %broadcast_in_dim3A_243 = vector.shape_cast %select_n3A_242 : vector<16xi32> to vector<16x1xi32>
      %gather3A_244 = vector.shape_cast %broadcast_in_dim3A_243 : vector<16x1xi32> to vector<16xi32>
      %gather3A_245 = tpu.dynamic_gather %add3A_235[%gather3A_244] in [0] : vector<16xf32>, vector<16xi32> -> vector<16xf32>
      %add3A_246 = arith.addf %add3A_235, %gather3A_245 : vector<16xf32>
      %div3A = arith.constant 1.000000e+00 : f32
      %div3A_247 = vector.broadcast %div3A : f32 to vector<16xf32>
      %div3A_248 = arith.divf %div3A_247, %add3A_246 : vector<16xf32>
      %sub3A_249 = arith.subf %max3A_154, %max3A_61 : vector<16xf32>
      %exp3A_250 = math.exp %sub3A_249 : vector<16xf32>
      %div3A_251 = arith.divf %exp3A_250, %add3A_246 : vector<16xf32>
      %add3A_252 = arith.addf %div3A_248, %div3A_251 : vector<16xf32>
      %add3A_253 = arith.constant 9.99999971E-10 : f32
      %add3A_254 = vector.broadcast %add3A_253 : f32 to vector<16xf32>
      %add3A_255 = arith.addf %add3A_252, %add3A_254 : vector<16xf32>
      %eq3A_256 = arith.constant 0 : i32
      %eq3A_257 = vector.broadcast %eq3A_256 : i32 to vector<16xi32>
      %eq3A_258 = arith.cmpi eq, %iota3A, %eq3A_257 : vector<16xi32>
      %eq3A_259 = arith.constant 1 : i32
      %eq3A_260 = vector.broadcast %eq3A_259 : i32 to vector<16xi32>
      %eq3A_261 = arith.cmpi eq, %iota3A, %eq3A_260 : vector<16xi32>
      %div3A_262 = arith.divf %div3A_248, %add3A_255 : vector<16xf32>
      %div3A_263 = arith.divf %div3A_251, %add3A_255 : vector<16xf32>
      %jit3A_264 = arith.constant 0.000000e+00 : f32
      %broadcast_in_dim3A_265 = vector.broadcast %jit3A_264 : f32 to vector<16xf32>
      %select_n3A_266 = arith.select %eq3A_261, %div3A_263, %broadcast_in_dim3A_265 : vector<16xi1>, vector<16xf32>
      %select_n3A_267 = arith.select %eq3A_258, %div3A_262, %select_n3A_266 : vector<16xi1>, vector<16xf32>
      %swap3A = arith.index_cast %scan3A_19 : i32 to index
      %swap3A_268 = arith.constant 0 : index
      %swap3A_269 = tpu.vector_load %arg6[%swap3A, %swap3A_268] {strides = array<i32>} : memref<256x16xf32, #tpu.memory_space<vmem>>, vector<1x16xf32>,
      %swap3A_270 = vector.shape_cast %swap3A_269 : vector<1x16xf32> to vector<16xf32>
      %swap3A_271 = vector.shape_cast %select_n3A_267 : vector<16xf32> to vector<1x16xf32>
      tpu.vector_store %arg6[%swap3A, %swap3A_268], %swap3A_271 {strides = array<i32>} : memref<256x16xf32, #tpu.memory_space<vmem>>, vector<1x16xf32>,
      %jit3A_272 = arith.constant 0 : i32
      %broadcast_in_dim3A_273 = vector.broadcast %jit3A_272 : i32 to vector<16xi32>
      %select_n3A_274 = arith.select %eq3A_261, %min3A_202, %broadcast_in_dim3A_273 : vector<16xi1>, vector<16xi32>
      %select_n3A_275 = arith.select %eq3A_258, %min3A_106, %select_n3A_274 : vector<16xi1>, vector<16xi32>
      %swap3A_276 = arith.index_cast %scan3A_19 : i32 to index
      %swap3A_277 = arith.constant 0 : index
      %swap3A_278 = tpu.vector_load %arg7[%swap3A_276, %swap3A_277] {strides = array<i32>} : memref<256x16xi32, #tpu.memory_space<vmem>>, vector<1x16xi32>,
      %swap3A_279 = vector.shape_cast %swap3A_278 : vector<1x16xi32> to vector<16xi32>
      %swap3A_280 = vector.shape_cast %select_n3A_275 : vector<16xi32> to vector<1x16xi32>
      tpu.vector_store %arg7[%swap3A_276, %swap3A_277], %swap3A_280 {strides = array<i32>} : memref<256x16xi32, #tpu.memory_space<vmem>>, vector<1x16xi32>,
    }
    %scan3A_18 = arith.constant 256 : i32
    "tpu.region"() ({
      %run_scoped3A = tpu.sem_alloc : memref<!tpu.dma_semaphore, #tpu.memory_space<semaphore_mem>>
      %dma_start3A = arith.constant 0 : i32
      %dma_start3A_19 = tpu.memref_slice %arg3[%mul3A_2, %dma_start3A] : memref<8192x16xf32, #tpu.memory_space<hbm>> -> memref<256x16xf32, #tpu.memory_space<hbm>>
      %dma_start3A_20 = arith.constant 0 : i32
      %dma_start3A_21 = tpu.memref_slice %arg3[%mul3A_2, %dma_start3A_20] : memref<8192x16xf32, #tpu.memory_space<hbm>> -> memref<256x16xf32, #tpu.memory_space<hbm>>
      tpu.enqueue_dma source(%arg6 : memref<256x16xf32, #tpu.memory_space<vmem>>) target(%dma_start3A_21 : memref<256x16xf32, #tpu.memory_space<hbm>>) target_semaphore(%run_scoped3A : memref<!tpu.dma_semaphore, #tpu.memory_space<semaphore_mem>>)
      %dma_wait3A = arith.constant 0 : i32
      %dma_wait3A_22 = tpu.memref_slice %arg3[%mul3A_2, %dma_wait3A] : memref<8192x16xf32, #tpu.memory_space<hbm>> -> memref<256x16xf32, #tpu.memory_space<hbm>>
      %dma_wait3A_23 = arith.constant 0 : i32
      %dma_wait3A_24 = tpu.memref_slice %arg3[%mul3A_2, %dma_wait3A_23] : memref<8192x16xf32, #tpu.memory_space<hbm>> -> memref<256x16xf32, #tpu.memory_space<hbm>>
      tpu.wait_dma2 semaphore(%run_scoped3A : memref<!tpu.dma_semaphore, #tpu.memory_space<semaphore_mem>>) src(%arg6 : memref<256x16xf32, #tpu.memory_space<vmem>>) dst(%dma_wait3A_24 : memref<256x16xf32, #tpu.memory_space<hbm>>)
      tpu.yield
    }) : () -> ()
    "tpu.region"() ({
      %run_scoped3A = tpu.sem_alloc : memref<!tpu.dma_semaphore, #tpu.memory_space<semaphore_mem>>
      %dma_start3A = arith.constant 0 : i32
      %dma_start3A_19 = tpu.memref_slice %arg4[%mul3A_2, %dma_start3A] : memref<8192x16xi32, #tpu.memory_space<hbm>> -> memref<256x16xi32, #tpu.memory_space<hbm>>
      %dma_start3A_20 = arith.constant 0 : i32
      %dma_start3A_21 = tpu.memref_slice %arg4[%mul3A_2, %dma_start3A_20] : memref<8192x16xi32, #tpu.memory_space<hbm>> -> memref<256x16xi32, #tpu.memory_space<hbm>>
      tpu.enqueue_dma source(%arg7 : memref<256x16xi32, #tpu.memory_space<vmem>>) target(%dma_start3A_21 : memref<256x16xi32, #tpu.memory_space<hbm>>) target_semaphore(%run_scoped3A : memref<!tpu.dma_semaphore, #tpu.memory_space<semaphore_mem>>)
      %dma_wait3A = arith.constant 0 : i32
      %dma_wait3A_22 = tpu.memref_slice %arg4[%mul3A_2, %dma_wait3A] : memref<8192x16xi32, #tpu.memory_space<hbm>> -> memref<256x16xi32, #tpu.memory_space<hbm>>
      %dma_wait3A_23 = arith.constant 0 : i32
      %dma_wait3A_24 = tpu.memref_slice %arg4[%mul3A_2, %dma_wait3A_23] : memref<8192x16xi32, #tpu.memory_space<hbm>> -> memref<256x16xi32, #tpu.memory_space<hbm>>
      tpu.wait_dma2 semaphore(%run_scoped3A : memref<!tpu.dma_semaphore, #tpu.memory_space<semaphore_mem>>) src(%arg7 : memref<256x16xi32, #tpu.memory_space<vmem>>) dst(%dma_wait3A_24 : memref<256x16xi32, #tpu.memory_space<hbm>>)
      tpu.yield
    }) : () -> ()
    return
  }
}

module attributes {stable_mosaic.version = 14 : i64} {
  func.func @_logits_kernel(%arg0: i32, %arg1: memref<1024x2048xf32, #tpu.memory_space<vmem>>, %arg2: memref<2048x16xf32, #tpu.memory_space<vmem>>, %arg3: memref<1024x16xf32, #tpu.memory_space<vmem>>) attributes {dimension_semantics = [#tpu.dimension_semantics<parallel>], iteration_bounds = array<i64: 8>, scalar_prefetch = 0 : i64, scratch_operands = 0 : i64, tpu.core_type = #tpu.core_type<tc>, window_params = [{transform_indices = @transform_0, window_bounds = array<i64: 1024, 2048>}, {pipeline_mode = #tpu.pipeline_mode<synchronous>, transform_indices = @transform_1, window_bounds = array<i64: 2048, 16>}, {transform_indices = @transform_2, window_bounds = array<i64: 1024, 16>}]} {
    %get3A = arith.constant 0 : index
    %get3A_0 = arith.constant 0 : index
    %get3A_1 = vector.load %arg1[%get3A, %get3A_0] : memref<1024x2048xf32, #tpu.memory_space<vmem>>, vector<1024x2048xf32>
    %get3A_2 = arith.constant 0 : index
    %get3A_3 = arith.constant 0 : index
    %get3A_4 = vector.load %arg2[%get3A_2, %get3A_3] : memref<2048x16xf32, #tpu.memory_space<vmem>>, vector<2048x16xf32>
    %dot_general3A = arith.constant dense<0.000000e+00> : vector<1024x16xf32>
    %dot_general3A_5 = tpu.matmul %get3A_1, %get3A_4, %dot_general3A {dimension_numbers = #tpu.dot_dimension_numbers<[1], [0], [0], [1], [0, 0, 1, 1], [], []>, transpose_lhs_hint = false} : vector<1024x2048xf32>, vector<2048x16xf32>, vector<1024x16xf32> -> vector<1024x16xf32>
    %swap3A = arith.constant 0 : index
    %swap3A_6 = arith.constant 0 : index
    %swap3A_7 = vector.load %arg3[%swap3A, %swap3A_6] : memref<1024x16xf32, #tpu.memory_space<vmem>>, vector<1024x16xf32>
    tpu.vector_store %arg3[%swap3A, %swap3A_6], %dot_general3A_5 {strides = array<i32>} : memref<1024x16xf32, #tpu.memory_space<vmem>>, vector<1024x16xf32>,
    return
  }
  func.func @transform_0(%arg0: i32) -> (i32, i32) {
    %c0_i32 = arith.constant 0 : i32
    %c0_i32_0 = arith.constant 0 : i32
    return %arg0, %c0_i32 : i32, i32
  }
  func.func @transform_1(%arg0: i32) -> (i32, i32) {
    %c0_i32 = arith.constant 0 : i32
    %c0_i32_0 = arith.constant 0 : i32
    %c0_i32_1 = arith.constant 0 : i32
    return %c0_i32, %c0_i32_0 : i32, i32
  }
  func.func @transform_2(%arg0: i32) -> (i32, i32) {
    %c0_i32 = arith.constant 0 : i32
    %c0_i32_0 = arith.constant 0 : i32
    return %arg0, %c0_i32 : i32, i32
  }
}

</mosaic_0001>

<sc_bundles>
// kernel: kernel.4.cloned.1.call-start
scs
__scs_entry_jumppad:
0x0: {  	(pc) =	sbr.rel $0x88, $3  }
0x1: {  	(tag) =	ssettag $0x0;
	lr =	simm.s32 $0x1  }
0x2: {  	[smem:$0x3F9F] =	sst lr;
	_ =	strace $0xD0000000  }
0x3: {  	_ = 	snop  }
0x4: {  	_ = 	snop  }
0x5: {  	_ = 	snop  }
0x6: {  	_ = 	snop  }
0x7: {  	_ = 	snop  }
__scs_overlays_trampoline_lowered:
0x8: {  	[smem:$0x3FAE] =	sst s0  }
0x9: {  	[smem:$0x3FAF] =	sst s1  }
0xa: {  	[smem:$0x3FB0] =	sst s2  }
0xb: {  	[smem:$0x3FB1] =	sst s3  }
0xc: {  	[smem:$0x3FB2] =	sst s4  }
0xd: {  	[smem:$0x3FB3] =	sst s5  }
0xe: {  	[smem:$0x3FB4] =	sst s6  }
0xf: {  	[smem:$0x3FB5] =	sst s7  }
0x10: {  	[smem:$0x3FB6] =	sst s8  }
0x11: {  	[smem:$0x3FB7] =	sst s9;
	s0 =	simm.s32 @!p0 $0x0  }
0x12: {  	s1 =	sld [smem:$0x3F9D];
	s0 =	simm.s32 @p0 $0x1  }
0x13: {  	[smem:$0x3FB8] =	sst s0;
	s0 =	simm.s32 @!p1 $0x0  }
0x14: {  	s2 =	sld [smem:$0x3F9C];
	s0 =	simm.s32 @p1 $0x1  }
0x15: {  	[smem:$0x3FB9] =	sst s0;
	s0 =	simm.s32 @!p2 $0x0  }
0x16: {  	s3 =	sld [smem:$0x3FDB];
	s0 =	simm.s32 @p2 $0x1  }
0x17: {  	s4 =	simm.s32 $0x1BF5;
	[smem:$0x3FBB] =	sst s0  }
0x18: {  	s0 =	sld [smem:$0x3F9E];
	_ =	swait.ge [sflag:s4], $0x0  }
0x19: {  	s7 =	sld [smem:$0x3F9F]  }
0x1a: {  	s8 =	sadd.s32 $0xFFFFE003, lr  }
0x1b: {  	s9 =	sadd.s32 $0xFFFFFEF7, lr;
	s5 =	simm.s32 $0xFFFFFFFF;
	p2 =	slt.u32 s8, $0xFFFFF086  }
0x1c: {  	p1 =	slt.u32 s9, $0xF7A;
	s5 =	simm.s32 @!p2 $0x0  }
0x1d: {  	s5 =	simm.s32 @p1 $0x1;
	p0 =	seq.s32 s7, s2  }
0x1e: {  	s7 =	smul.u32 @!p0 $0xF7A, s2;
	p2 =	seq.s32 @!p0 s5, $0x0  }
0x1f: {  	s9 =	smul.u32 $0xF7A, s1;
	s8 =	simm.s32 @!p0 $0x1BF5;
	p2 =	por !p2, p0  }
0x20: {  	[sflag:s8] =	ssyncset.s32 @!p0 $0xFFFFF086;
	s6 =	sadd.s32 @!p0 s3, s7;
	s7 =	simm.s32 @!p0 $0x108  }
0x21: {  	s3 =	sadd.s32 s3, s9;
	s6 =	sadd.s32 @!p0 $0x88, s6;
	s7 =	simm.s32 @p2 $0x1082  }
0x22: {  	[simem:s7], [sflag:s8] =	dma.local @!p0 [hbm:s6], $0xF7A  }
0x23: {  	s9 =	sor.u32 $0xD0000000, s2;
	s6 =	simm.s32 $0x108;
	_ =	swait.ge @!p0 [sflag:s8], $0x0  }
0x24: {  	s3 =	sadd.s32 $0x88, s3;
	s6 =	simm.s32 @!p1 $0x1082;
	[sflag:s4] =	ssyncset.s32 $0xFFFFF086  }
0x25: {  	[simem:s6], [sflag:s4] =	dma.local [hbm:s3], $0xF7A  }
0x26: {  	[smem:$0x3F9F] =	sst s1;
	(tag) =	ssettag s2;
	_ =	strace s9  }
0x27: {  	s1 =	sld [smem:$0x3FAF]  }
0x28: {  	s2 =	sld [smem:$0x3FB0]  }
0x29: {  	s4 =	sld [smem:$0x3FB2]  }
0x2a: {  	p0 =	seq.s32 s5, $0x0;
	s5 =	sld [smem:$0x3FB3]  }
0x2b: {  	s6 =	sld [smem:$0x3FB4]  }
0x2c: {  	s7 =	sld [smem:$0x3FB5]  }
0x2d: {  	s3 =	simm.s32 $0x108;
	s8 =	sld [smem:$0x3FB6]  }
0x2e: {  	s3 =	simm.s32 @!p0 $0x1082;
	s9 =	sld [smem:$0x3FB7]  }
0x2f: {  	lr =	sadd.s32 s0, s3;
	s0 =	sld [smem:$0x3FAE]  }
0x30: {  	s3 =	sld [smem:$0x3FB1]  }
0x31: {  	[smem:$0x3FBA] =	sst s10  }
0x32: {  	s10 =	sld [smem:$0x3FB8];
	_ =	sdelay $0x3  }
0x33: {  	p0 =	seq.s32 s10, $0x1;
	s10 =	sld [smem:$0x3FBA];
	_ =	sdelay $0x3  }
0x34: {  	[smem:$0x3FBA] =	sst s10  }
0x35: {  	s10 =	sld [smem:$0x3FB9];
	_ =	sdelay $0x3  }
0x36: {  	p1 =	seq.s32 s10, $0x1;
	s10 =	sld [smem:$0x3FBA];
	_ =	sdelay $0x3  }
0x37: {  	[smem:$0x3FBA] =	sst s10  }
0x38: {  	s10 =	sld [smem:$0x3FBB]  }
0x39: {  	_ = 	snop;
	(pc) =	sbr.ind lr, $3  }
0x3a: {  	_ = 	snop  }
0x3b: {  	_ = 	snop  }
0x3c: {  	p2 =	seq.s32 s10, $0x1;
	s10 =	sld [smem:$0x3FBA]  }
0x3d: {  	_ =	shalt  }
0x3e: {  	_ =	shalt  }
0x3f: {  	_ =	shalt  }
0x40: {  	_ =	shalt  }
0x41: {  	_ =	shalt  }
0x42: {  	_ =	shalt  }
0x43: {  	_ =	shalt  }
0x44: {  	_ =	shalt  }
0x45: {  	_ =	shalt  }
0x46: {  	_ =	shalt  }
0x47: {  	_ =	shalt  }
0x48: {  	_ =	shalt  }
0x49: {  	_ =	shalt  }
0x4a: {  	_ =	shalt  }
0x4b: {  	_ =	shalt  }
0x4c: {  	_ =	shalt  }
0x4d: {  	_ =	shalt  }
0x4e: {  	_ =	shalt  }
0x4f: {  	_ =	shalt  }
0x50: {  	_ =	shalt  }
0x51: {  	_ =	shalt  }
0x52: {  	_ =	shalt  }
0x53: {  	_ =	shalt  }
0x54: {  	_ =	shalt  }
0x55: {  	_ =	shalt  }
0x56: {  	_ =	shalt  }
0x57: {  	_ =	shalt  }
0x58: {  	_ =	shalt  }
0x59: {  	_ =	shalt  }
0x5a: {  	_ =	shalt  }
0x5b: {  	_ =	shalt  }
0x5c: {  	_ =	shalt  }
0x5d: {  	_ =	shalt  }
0x5e: {  	_ =	shalt  }
0x5f: {  	_ =	shalt  }
0x60: {  	_ =	shalt  }
0x61: {  	_ =	shalt  }
0x62: {  	_ =	shalt  }
0x63: {  	_ =	shalt  }
0x64: {  	_ =	shalt  }
0x65: {  	_ =	shalt  }
0x66: {  	_ =	shalt  }
0x67: {  	_ =	shalt  }
0x68: {  	_ =	shalt  }
0x69: {  	_ =	shalt  }
0x6a: {  	_ =	shalt  }
0x6b: {  	_ =	shalt  }
0x6c: {  	_ =	shalt  }
0x6d: {  	_ =	shalt  }
0x6e: {  	_ =	shalt  }
0x6f: {  	_ =	shalt  }
0x70: {  	_ =	shalt  }
0x71: {  	_ =	shalt  }
0x72: {  	_ =	shalt  }
0x73: {  	_ =	shalt  }
0x74: {  	_ =	shalt  }
0x75: {  	_ =	shalt  }
0x76: {  	_ =	shalt  }
0x77: {  	_ =	shalt  }
0x78: {  	_ =	shalt  }
0x79: {  	_ =	shalt  }
0x7a: {  	_ =	shalt  }
0x7b: {  	_ =	shalt  }
0x7c: {  	_ =	shalt  }
0x7d: {  	_ =	shalt  }
0x7e: {  	_ =	shalt  }
0x7f: {  	_ =	shalt  }
0x80: {  	_ =	shalt  }
0x81: {  	_ =	shalt  }
0x82: {  	_ =	shalt  }
0x83: {  	_ =	shalt  }
0x84: {  	_ =	shalt  }
0x85: {  	_ =	shalt  }
0x86: {  	_ =	shalt  }
0x87: {  	_ =	shalt  }
.Lfunc_end0:
.L_simem_size_0:
called_computation_lowered:
.L_overlay_start_0:
0x88: {  	s2 =	sld [smem:$0x3FD9]  }
0x89: {  	s3 =	sld [smem:$0x3FFE];
	_ =	sdelay $0x1  }
0x8a: {  	s1 =	srdreg.scid  }
0x8b: {  	s0 =	sand.u32 $0x1, s1  }
0x8c: {  	s16 =	sshll.u32 s0, $0xA;
	s2 =	sadd.s32 s3, s2  }
0x8d: {  	s2 =	sadd.s32 s2, s16  }
0x8e: {  	[smem:$0x3FC6] =	sst s2  }
0x8f: {  	_ = 	snop  }
0x90: {  	(tm) =	ssettm $0x1  }
0x91: {  	s17 =	sld [smem:$0x3FFB];
	_ =	sdelay $0x3  }
0x92: {  	_ =	strace s17  }
0x93: {  	s2 =	sld [smem:$0x3FFC];
	_ =	sdelay $0x3  }
0x94: {  	_ =	strace s2  }
0x95: {  	s2 =	sld [smem:$0x3FFD];
	_ =	sdelay $0x3  }
0x96: {  	_ =	strace s2  }
0x97: {  	_ =	strace $0x8FFFFFFF  }
0x98: {  	s18 =	sld [smem:$0x3FDB];
	_ =	sdelay $0x1  }
0x99: {  	s19 =	simm.s32 $_scs_section_size  }
0x9a: {  	s4 =	simm.s32 $_size__tile_overlayer_lowered;
	s5 =	simm.s32 $_tile_overlayer_lowered  }
0x9b: {  	s22 =	simm.s32 $0x1BFF;
	s21 =	sshll.u32 s5, $0x1;
	s2 =	sadd.s32 s19, s18  }
0x9c: {  	s6 =	simm.s32 $0x0;
	s20 =	sshll.u32 s4, $0x1;
	s4 =	sadd.s32 s21, s2  }
0x9d: {  	[timem:s6], [sflag:s22] =	dma.local [hbm:s4], s20  }
0x9e: {  	_ =	swait.ge [sflag:s22], s20  }
0x9f: {  	s3 =	ssub.s32 $0x0, s20;
	[sflag:s22] =	ssyncset.done $0x0  }
0xa0: {  	[sflag:s22] =	ssyncadd.s32 s3;
	_ =	sdelay $0x1  }
0xa1: {  	s23 =	simm.s32 $0x1B8B  }
0xa2: {  	_ =	swait.ge [sflag:s23], $0x1  }
0xa3: {  	[sflag:s23] =	ssyncset.done $0x0  }
0xa4: {  	s25 =	simm.s32 $0x1B8E;
	s24 =	sld [smem:$0x3FFE];
	[sflag:s23] =	ssyncadd.s32 $0xFFFFFFFF  }
0xa5: {  	s26 =	simm.s32 $execute0_lowered;
	[smem:$0x3FD2] =	sst s25  }
0xa6: {  	s4 =	sshll.u32 s26, $0x1;
	_ =	strace $0x80000046;
	[dreg:$0x1] =	wrdreg $0xFFFFFFFF  }
0xa7: {  	s28 =	simm.s32 $_size_execute0_lowered;
	s2 =	sadd.s32 s2, s4;
	[dreg:$0x0] =	wrdreg $0x0  }
0xa8: {  	s4 =	sshll.u32 s28, $0x1;
	[dreg:$0x2] =	wrdreg s2  }
0xa9: {  	[dreg:$0x3] =	wrdreg s4  }
0xaa: {  	[dreg:$0x4] =	wrdreg $0xC0  }
0xab: {  	_ =	task [dreg:s6], $0x5FFFF  }
0xac: {  	[dreg:$0x1] =	wrdreg $0xFFFFFFFF  }
0xad: {  	[dreg:$0x0] =	wrdreg $0x60  }
0xae: {  	[dreg:$0x2] =	wrdreg s24  }
0xaf: {  	[dreg:$0x3] =	wrdreg $0x9  }
0xb0: {  	_ =	task.clear_ibuf [dreg:s6], $0x4FFFF;
	_ =	strace $0x90000046  }
0xb1: {  	s29 =	simm.s32 $0x9;
	_ =	strace $0x80000048  }
0xb2: {  	_ =	swait.ge [sflag:s29], $0x1  }
0xb3: {  	[sflag:s29] =	ssyncadd.s32 $0xFFFFFFFF  }
0xb4: {  	_ =	strace $0x90000048  }
0xb5: {  	_ =	sfence  }
0xb6: {  	s30 =	sld [smem:$0x0];
	_ =	sdelay $0x2  }
0xb7: {  	s31 =	sshll.u32 s1, $0xD;
	s1 =	sshrl.u32 s1, $0x2  }
0xb8: {  	s3 =	sand.u32 $0x4000, s31;
	s1 =	sadd.s32 s1, s30  }
0xb9: {  	s0 =	sor.u32 s3, s0;
	s1 =	sshll.u32 s1, $0x11  }
0xba: {  	s0 =	sor.u32 s1, s0  }
0xbb: {  	s0 =	sadd.s32 $0x8F2B, s0  }
0xbc: {  	[sflag:s0] =	ssyncadd.remote.s32 $0x1  }
0xbd: {  	_ =	sfence.sel $0xFFFF  }
0xbe: {  	[dreg:$0x0] =	wrdreg $0xFFFFFFFF;
	(pc) =	sbr.abs _section_cstart, $3  }
0xbf: {  	[dreg:$0x1] =	wrdreg $0xFFFFFFFF  }
0xc0: {  	_ =	task.clear_ibuf [dreg:s6], $0x2FFFF;
	_ =	strace $0x9FFFFFFF  }
0xc1: {  	(tm) =	ssettm $0x7FFFFFFF  }
tec
execute0_lowered:
.L_overlay_start_1:
0x0: {  	(tag) =	ssettag $0x1  }
0x1: {  	v0 =	vimm.s32 $0xEFCDAB89  }
0x2: {  	v1 =	vimm.s32 $0x67452301;
	v2 =	vimm.s32 $0xDCFE98BA;
	v3 =	vimm.s32 $0x54761032  }
0x3: {  	v4 =	vimm.s32 $0xBA98FEDC;
	v5 =	vimm.s32 $0x32107654;
	v6 =	vimm.s32 $0xFEDCBA98  }
0x4: {  	v7 =	vimm.s32 $0x76543210;
	v0 =	vunpack.c.l.s4.s8 v0;
	v1 =	vunpack.c.l.s4.s8 v1  }
0x5: {  	v2 =	vunpack.c.l.s4.s8 v2;
	v3 =	vunpack.c.l.s4.s8 v3;
	v4 =	vunpack.c.l.s4.s8 v4  }
0x6: {  	s3 =	rddreg [dreg:$0x0];
	s2 =	srdreg.scid;
	v5 =	vunpack.c.l.s4.s8 v5;
	v6 =	vunpack.c.l.s4.s8 v6;
	v7 =	vunpack.c.l.s4.s8 v7  }
0x7: {  	s0 =	rddreg [dreg:$0x1];
	s1 =	stileid.u32;
	s7 =	simm.s32 $0x1;
	v0 =	vunpack.c.0.s8.s32 v0;
	v1 =	vunpack.c.0.s8.s32 v1;
	v2 =	vunpack.c.0.s8.s32 v2  }
0x8: {  	s8 =	simm.s32 $0x8000;
	s9 =	simm.s32 $0x10000;
	s4 =	sand.u32 $0x1, s2;
	v3 =	vunpack.c.0.s8.s32 v3;
	v4 =	vunpack.c.0.s8.s32 v4;
	v5 =	vunpack.c.0.s8.s32 v5  }
0x9: {  	s10 =	simm.s32 $0x0;
	s5 =	sshll.u32 s1, $0xD;
	s6 =	sshll.u32 s4, $0xC;
	v0 =	vcombine.low v1, v0;
	v1 =	vunpack.c.0.s8.s32 v6  }
0xa: {  	s2 =	simm.s32 $0x0;
	s4 =	ssub.s32 $0x2, s4;
	s5 =	sor.u32 s6, s5;
	v2 =	vcombine.low v3, v2;
	v3 =	vcombine.low v5, v4;
	v4 =	vunpack.c.0.s8.s32 v7  }
0xb: {  	vm0 =	vcmask $0x3F08;
	[smem:$0x7FF] =	sst s2;
	s30 =	sshrl.u32 s4, $0x1;
	s5 =	sadd.s32 s5, s3;
	v5 =	vand.u32 $0xF, v1  }
0xc: {  	_ =	strace $0x80000047;
	s31 =	ssub.s32 s4, s30;
	s3 =	sadd.s32 $0xC00, s5;
	v1 =	vand.u32 $0xF, v2;
	v2 =	vand.u32 $0xF, v3;
	v3 =	vcombine.low v5, v4  }
0xd: {  	vm1 =	vmmov $0x1;
	s4 =	sadd.s32 $0x20C00, s5;
	s5 =	sadd.s32 $0x40C00, s5;
	s6 =	smax.u32 s31, $0x1;
	v0 =	vand.u32 $0xF, v0;
	v4 =	vlaneseq.u32  }
.LBB2_1:
0xe: {  	[tilespmem:s2], [sflag:$0x1] =	stream.linear.gather [hbm4b:s3+s2], $0x8000, $0x38;
	[tilespmem:$0x18000] =	vst v63  }
0xf: {  	_ =	swait.ge [sflag:s7], $0x8000  }
0x10: {  	[sflag:s7] =	ssyncset.done $0x0  }
0x11: {  	s11 =	simm.s32 $0x0;
	[sflag:s7] =	ssyncadd.s32 $0xFFFF8000  }
0x12: {  	v6 =	vld [tilespmem:s11+$0x0];
	_ =	sdelay $0x4  }
0x13: {  	v5 =	vperm.xlane v6, v0;
	_ =	sdelay $0x1  }
0x14: {  	v5 =	vmax.f32 v6, v5  }
0x15: {  	v7 =	vperm.xlane v5, v1;
	_ =	sdelay $0x1  }
0x16: {  	v5 =	vmax.f32 v5, v7  }
0x17: {  	v7 =	vperm.xlane v5, v2;
	_ =	sdelay $0x1  }
0x18: {  	v5 =	vmax.f32 v5, v7  }
0x19: {  	v7 =	vperm.xlane v5, v3;
	_ =	sdelay $0x1  }
0x1a: {  	v7 =	vmax.f32 v5, v7  }
0x1b: {  	vm2 =	veq.f32 v6, v7  }
0x1c: {  	v5 =	vnsel vm2, $0x10, v4  }
0x1d: {  	v8 =	vperm.xlane v5, v0;
	_ =	sdelay $0x1  }
0x1e: {  	vm2 =	vlt.s32 v5, v8  }
0x1f: {  	s12 =	simm.s32 $0x80;
	v9 =	vsub.f32 v6, v7;
	v5 =	vsel vm2, v5, v8  }
0x20: {  	v10 =	vld [tilespmem:s12+$0x0];
	v8 =	vperm.xlane v5, v1  }
0x21: {  	v9 =	vmul.f32 $1.442695020e+00, v9  }
0x22: {  	vm2 =	vlt.s32 v5, v8  }
0x23: {  	(erf) = vpow2.f32 v9;
	v5 =	vsel vm2, v5, v8  }
0x24: {  	v8 =	vperm.xlane v5, v2  }
0x25: {  	v9 =	vperm.xlane v10, v0  }
0x26: {  	vm2 =	vlt.s32 v5, v8  }
0x27: {  	v5 =	vsel vm2, v5, v8;
	v8 =	vmax.f32 v10, v9  }
0x28: {  	v9 =	vperm.xlane v5, v3;
	v11 =	vperm.xlane v8, v1;
	_ =	sdelay $0x1  }
0x29: {  	vm2 =	vlt.s32 v5, v9;
	v8 =	vmax.f32 v8, v11  }
0x2a: {  	v5 =	vsel vm2, v5, v9;
	v9 =	vperm.xlane v8, v2  }
0x2b: {  	vm2 =	veq.s32 v5, v4;
	v11 =	vpop (erf)  }
0x2c: {  	v6 =	vsel vm2, $0xFF800000, v6;
	v12 =	vperm.xlane v11, v0;
	v8 =	vmax.f32 v8, v9  }
0x2d: {  	v9 =	vperm.xlane v6, v0;
	v13 =	vperm.xlane v8, v3  }
0x2e: {  	v12 =	vadd.f32 v12, v11  }
0x2f: {  	v9 =	vmax.f32 v6, v9;
	v11 =	vmax.f32 v8, v13  }
0x30: {  	v8 =	vperm.xlane v9, v1;
	v13 =	vperm.xlane v12, v1;
	vm2 =	veq.f32 v10, v11  }
0x31: {  	v14 =	vnsel vm2, $0x10, v4  }
0x32: {  	v8 =	vmax.f32 v9, v8;
	v9 =	vadd.f32 v13, v12;
	v12 =	vperm.xlane v14, v0  }
0x33: {  	v13 =	vperm.xlane v8, v2  }
0x34: {  	v15 =	vperm.xlane v9, v2;
	vm2 =	vlt.s32 v14, v12  }
0x35: {  	v16 =	vsub.f32 v10, v11;
	v8 =	vmax.f32 v8, v13;
	v12 =	vsel vm2, v14, v12  }
0x36: {  	s13 =	simm.s32 $0x100;
	v13 =	vperm.xlane v8, v3;
	v14 =	vadd.f32 v15, v9;
	v15 =	vperm.xlane v12, v1  }
0x37: {  	v16 =	vmul.f32 $1.442695020e+00, v16;
	v9 =	vld [tilespmem:s13+$0x0]  }
0x38: {  	v8 =	vmax.f32 v8, v13;
	v13 =	vperm.xlane v14, v3;
	vm2 =	vlt.s32 v12, v15  }
0x39: {  	v7 =	vsub.f32 v8, v7;
	v12 =	vsel vm2, v12, v15  }
0x3a: {  	(erf) = vpow2.f32 v16;
	v13 =	vadd.f32 v13, v14;
	v14 =	vperm.xlane v12, v2  }
0x3b: {  	vm2 =	veq.f32 v6, v8;
	v7 =	vmul.f32 $1.442695020e+00, v7  }
0x3c: {  	v6 =	vperm.xlane v9, v0;
	(erf) = vrcp.f32 v13;
	vm3 =	vlt.s32 v12, v14  }
0x3d: {  	(erf) = vpow2.f32 v7;
	v7 =	vnsel vm2, $0x10, v4;
	v8 =	vsel vm3, v12, v14  }
0x3e: {  	v6 =	vmax.f32 v9, v6;
	v12 =	vperm.xlane v7, v0;
	v13 =	vperm.xlane v8, v3  }
0x3f: {  	v14 =	vperm.xlane v6, v1  }
0x40: {  	vm2 =	vlt.s32 v7, v12;
	vm3 =	vlt.s32 v8, v13  }
0x41: {  	v12 =	vsel vm2, v7, v12;
	v7 =	vmax.f32 v6, v14;
	v6 =	vsel vm3, v8, v13  }
0x42: {  	v8 =	vperm.xlane v12, v1;
	v13 =	vperm.xlane v7, v2;
	vm2 =	veq.s32 v6, v4  }
0x43: {  	v14 =	vpop (erf);
	v10 =	vsel vm2, $0xFF800000, v10  }
0x44: {  	v15 =	vperm.xlane v14, v0;
	vm2 =	vlt.s32 v12, v8;
	v13 =	vmax.f32 v7, v13  }
0x45: {  	v16 =	vperm.xlane v10, v0;
	v7 =	vpop (erf);
	v12 =	vsel vm2, v12, v8;
	v17 =	vperm.xlane v13, v3  }
0x46: {  	v15 =	vadd.f32 v15, v14;
	v8 =	vpop (erf);
	v18 =	vperm.xlane v12, v2  }
0x47: {  	v16 =	vmax.f32 v10, v16;
	v8 =	vmul.f32 v7, v8;
	v14 =	vmax.f32 v13, v17  }
0x48: {  	v13 =	vperm.xlane v16, v1;
	v17 =	vperm.xlane v15, v1;
	vm3 =	veq.f32 v9, v14  }
0x49: {  	vm2 =	vlt.s32 v12, v18;
	v19 =	vadd.f32 v8, v7;
	v20 =	vnsel vm3, $0x10, v4  }
0x4a: {  	v16 =	vmax.f32 v16, v13;
	v15 =	vadd.f32 v17, v15;
	v12 =	vsel vm2, v12, v18  }
0x4b: {  	v21 =	vperm.xlane v20, v0;
	v18 =	vperm.xlane v16, v2;
	v19 =	vadd.f32 $9.999999710e-10, v19  }
0x4c: {  	v17 =	vsub.f32 v9, v14;
	v13 =	vperm.xlane v12, v3;
	v22 =	vperm.xlane v15, v2  }
0x4d: {  	vm2 =	vlt.s32 v20, v21;
	v18 =	vmax.f32 v16, v18;
	(erf) = vrcp.f32 v19  }
0x4e: {  	v16 =	vsel vm2, v20, v21;
	v20 =	vperm.xlane v18, v3;
	v15 =	vadd.f32 v22, v15  }
0x4f: {  	s14 =	simm.s32 $0x180;
	s15 =	simm.s32 $0x800;
	vm2 =	vlt.s32 v12, v13;
	v19 =	vperm.xlane v16, v1  }
.LBB2_2:
0x50: {  	p0 =	sne.s32 s15, $0x1FE00;
	v21 =	vld [tilespmem:s14+$0x0];
	v17 =	vmul.f32 $1.442695020e+00, v17;
	v18 =	vmax.f32 v18, v20;
	v20 =	vperm.xlane v15, v3  }
0x51: {  	vm3 =	vlt.s32 v16, v19;
	vm4 =	veq.f32 v10, v18;
	v10 =	vsub.f32 v18, v11;
	v11 =	vmovc v14  }
0x52: {  	v14 =	vsel vm3, v16, v19;
	(erf) = vpow2.f32 v17;
	v15 =	vadd.f32 v20, v15  }
0x53: {  	v17 =	vnsel vm4, $0x10, v4;
	v16 =	vperm.xlane v14, v2;
	v10 =	vmul.f32 $1.442695020e+00, v10  }
0x54: {  	v12 =	vsel vm2, v12, v13;
	v18 =	vperm.xlane v17, v0;
	(erf) = vrcp.f32 v15  }
0x55: {  	v13 =	vperm.xlane v21, v0;
	vm2 =	vlt.s32 v14, v16;
	(erf) = vpow2.f32 v10  }
0x56: {  	v12 =	vsel vm0, $0x0, v12;
	v10 =	vsel vm2, v14, v16;
	vm2 =	vlt.s32 v17, v18;
	v14 =	vpop (erf)  }
0x57: {  	v13 =	vmax.f32 v21, v13;
	v15 =	vperm.xlane v10, v3;
	v8 =	vmul.f32 v14, v8  }
0x58: {  	v17 =	vsel vm2, v17, v18;
	v7 =	vmul.f32 v14, v7;
	v19 =	vperm.xlane v13, v1  }
0x59: {  	v14 =	vperm.xlane v17, v1;
	vm2 =	vlt.s32 v10, v15;
	v8 =	vsel vm0, $0x0, v8  }
0x5a: {  	v13 =	vmax.f32 v13, v19;
	v15 =	vsel vm2, v10, v15;
	v7 =	vsel vm1, v7, v8  }
0x5b: {  	vm3 =	vlt.s32 v17, v14;
	v8 =	vperm.xlane v13, v2;
	vm2 =	veq.s32 v15, v4;
	v16 =	vpop (erf);
	[tilespmem:s11+$0x8000] =	vst v7  }
0x5c: {  	v17 =	vsel vm3, v17, v14;
	v10 =	vsel vm2, $0xFF800000, v9;
	v20 =	vperm.xlane v16, v0;
	v9 =	vmovc v21  }
0x5d: {  	v19 =	vperm.xlane v17, v2;
	v13 =	vmax.f32 v13, v8;
	v8 =	vperm.xlane v10, v0;
	v7 =	vpop (erf)  }
0x5e: {  	v12 =	vsel vm1, v5, v12;
	v14 =	vperm.xlane v13, v3;
	v16 =	vadd.f32 v20, v16;
	v18 =	vpop (erf)  }
0x5f: {  	vm2 =	vlt.s32 v17, v19;
	v20 =	vmax.f32 v10, v8;
	v8 =	vmul.f32 v7, v18;
	[tilespmem:s11+$0x10000] =	vst v12;
	s11 =	smov.u32 s12;
	s12 =	smov.u32 s13;
	s13 =	smov.u32 s14  }
0x60: {  	v5 =	vmovc v6;
	v14 =	vmax.f32 v13, v14;
	v13 =	vperm.xlane v20, v1;
	v18 =	vperm.xlane v16, v1  }
0x61: {  	v6 =	vmovc v15;
	v12 =	vsel vm2, v17, v19;
	vm3 =	veq.f32 v9, v14;
	v17 =	vadd.f32 v8, v7  }
0x62: {  	v15 =	vnsel vm3, $0x10, v4;
	v19 =	vmax.f32 v20, v13;
	v21 =	vadd.f32 v18, v16  }
.Ltmp0:
0x63: {  	v16 =	vperm.xlane v15, v0;
	v18 =	vperm.xlane v19, v2;
	v20 =	vadd.f32 $9.999999710e-10, v17;
	(pc) =	sbr.rel @p0 .LBB2_2-.Ltmp0, $4  }
0x64: {  	v13 =	vperm.xlane v12, v3;
	v17 =	vsub.f32 v9, v14;
	v22 =	vperm.xlane v21, v2  }
0x65: {  	vm2 =	vlt.s32 v15, v16;
	v18 =	vmax.f32 v19, v18;
	(erf) = vrcp.f32 v20  }
0x66: {  	v16 =	vsel vm2, v15, v16;
	v20 =	vperm.xlane v18, v3;
	v15 =	vadd.f32 v22, v21  }
0x67: {  	s14 =	sshra.s32 s15, $0x2;
	s15 =	sadd.s32 $0x200, s15;
	vm2 =	vlt.s32 v12, v13;
	v19 =	vperm.xlane v16, v1  }
0x68: {  	v21 =	vld [tilespmem:s14+$0x0];
	_ =	sdelay $0x3  }
0x69: {  	v17 =	vmul.f32 $1.442695020e+00, v17;
	v18 =	vmax.f32 v18, v20;
	v44 =	vperm.xlane v15, v3  }
0x6a: {  	vm3 =	vlt.s32 v16, v19;
	v11 =	vsub.f32 v18, v11;
	v22 =	vperm.xlane v21, v0  }
0x6b: {  	v16 =	vsel vm3, v16, v19;
	(erf) = vpow2.f32 v17;
	v15 =	vadd.f32 v44, v15  }
0x6c: {  	v45 =	vperm.xlane v16, v2;
	v11 =	vmul.f32 $1.442695020e+00, v11;
	v46 =	vmax.f32 v21, v22  }
0x6d: {  	(erf) = vrcp.f32 v15;
	v47 =	vperm.xlane v46, v1  }
0x6e: {  	(erf) = vpow2.f32 v11  }
0x6f: {  	vm3 =	vlt.s32 v16, v45;
	v48 =	vmax.f32 v46, v47  }
0x70: {  	v49 =	vsel vm3, v16, v45;
	v50 =	vperm.xlane v48, v2  }
0x71: {  	v17 =	vperm.xlane v49, v3  }
0x72: {  	v16 =	vmax.f32 v48, v50  }
0x73: {  	vm3 =	vlt.s32 v49, v17;
	v51 =	vperm.xlane v16, v3  }
0x74: {  	v52 =	vpop (erf);
	v11 =	vsel vm3, v49, v17  }
0x75: {  	vm3 =	veq.s32 v11, v4;
	v53 =	vpop (erf);
	v16 =	vmax.f32 v16, v51  }
0x76: {  	v9 =	vsel vm3, $0xFF800000, v9;
	v17 =	vpop (erf);
	vm3 =	veq.f32 v21, v16  }
0x77: {  	v54 =	vperm.xlane v53, v0;
	v55 =	vperm.xlane v9, v0;
	v23 =	vpop (erf);
	v24 =	vnsel vm3, $0x10, v4  }
0x78: {  	v23 =	vmul.f32 v17, v23;
	v25 =	vperm.xlane v24, v0  }
0x79: {  	v15 =	vadd.f32 v54, v53;
	v56 =	vmax.f32 v9, v55  }
0x7a: {  	v22 =	vperm.xlane v56, v1;
	v26 =	vadd.f32 v23, v17;
	vm3 =	vlt.s32 v24, v25  }
0x7b: {  	v27 =	vperm.xlane v15, v1;
	v57 =	vsub.f32 v21, v16;
	v24 =	vsel vm3, v24, v25  }
0x7c: {  	v26 =	vadd.f32 $9.999999710e-10, v26;
	v28 =	vperm.xlane v24, v1  }
0x7d: {  	v19 =	vmax.f32 v56, v22;
	v15 =	vadd.f32 v27, v15;
	v58 =	vmul.f32 $1.442695020e+00, v57  }
0x7e: {  	v59 =	vperm.xlane v19, v2;
	(erf) = vrcp.f32 v26;
	vm3 =	vlt.s32 v24, v28  }
0x7f: {  	v60 =	vperm.xlane v15, v2;
	(erf) = vpow2.f32 v58;
	v24 =	vsel vm3, v24, v28  }
0x80: {  	v19 =	vmax.f32 v19, v59;
	v61 =	vperm.xlane v24, v2  }
0x81: {  	v25 =	vperm.xlane v19, v3;
	v15 =	vadd.f32 v60, v15  }
0x82: {  	vm3 =	vlt.s32 v24, v61  }
0x83: {  	v19 =	vmax.f32 v19, v25;
	v62 =	vperm.xlane v15, v3;
	v22 =	vsel vm3, v24, v61  }
0x84: {  	v14 =	vsub.f32 v19, v14;
	v24 =	vperm.xlane v22, v3  }
0x85: {  	v15 =	vadd.f32 v62, v15  }
0x86: {  	v14 =	vmul.f32 $1.442695020e+00, v14;
	vm3 =	vlt.s32 v22, v24  }
0x87: {  	(erf) = vrcp.f32 v15;
	v63 =	vpop (erf);
	v22 =	vsel vm3, v22, v24  }
0x88: {  	(erf) = vpow2.f32 v14;
	v31 =	vpop (erf);
	vm3 =	veq.s32 v22, v4  }
0x89: {  	v32 =	vperm.xlane v31, v0;
	v21 =	vsel vm3, $0xFF800000, v21  }
0x8a: {  	v33 =	vperm.xlane v21, v0  }
0x8b: {  	v14 =	vadd.f32 v32, v31  }
0x8c: {  	v34 =	vmax.f32 v21, v33  }
0x8d: {  	v35 =	vperm.xlane v14, v1;
	v25 =	vperm.xlane v34, v1;
	_ =	sdelay $0x1  }
0x8e: {  	v14 =	vadd.f32 v35, v14;
	v24 =	vmax.f32 v34, v25  }
0x8f: {  	v36 =	vpop (erf);
	v37 =	vperm.xlane v24, v2  }
0x90: {  	v38 =	vpop (erf);
	v39 =	vperm.xlane v14, v2  }
0x91: {  	v27 =	vmul.f32 v36, v38;
	v24 =	vmax.f32 v24, v37  }
0x92: {  	v14 =	vadd.f32 v39, v14;
	v26 =	vperm.xlane v24, v3  }
0x93: {  	v40 =	vadd.f32 v27, v36  }
0x94: {  	v41 =	vperm.xlane v14, v3;
	v24 =	vmax.f32 v24, v26  }
0x95: {  	v28 =	vadd.f32 $9.999999710e-10, v40;
	v16 =	vsub.f32 v24, v16  }
0x96: {  	v14 =	vadd.f32 v41, v14  }
0x97: {  	(erf) = vrcp.f32 v28;
	v16 =	vmul.f32 $1.442695020e+00, v16  }
0x98: {  	(erf) = vrcp.f32 v14  }
0x99: {  	vm3 =	veq.f32 v10, v18;
	(erf) = vpow2.f32 v16  }
0x9a: {  	v10 =	vnsel vm3, $0x10, v4  }
0x9b: {  	v42 =	vperm.xlane v10, v0;
	_ =	sdelay $0x1  }
0x9c: {  	vm3 =	vlt.s32 v10, v42  }
0x9d: {  	v10 =	vsel vm3, v10, v42  }
0x9e: {  	v12 =	vsel vm2, v12, v13;
	v14 =	vperm.xlane v10, v1  }
0x9f: {  	v12 =	vsel vm0, $0x0, v12;
	vm4 =	veq.f32 v9, v19;
	v43 =	vpop (erf)  }
0xa0: {  	v8 =	vmul.f32 v52, v8;
	v45 =	vnsel vm4, $0x10, v4;
	vm3 =	vlt.s32 v10, v14;
	v44 =	vpop (erf)  }
0xa1: {  	v47 =	vperm.xlane v45, v0;
	vm2 =	veq.f32 v21, v24;
	v10 =	vsel vm3, v10, v14;
	v46 =	vpop (erf)  }
0xa2: {  	v21 =	vnsel vm2, $0x10, v4;
	v48 =	vperm.xlane v10, v2;
	v14 =	vmul.f32 v44, v46  }
0xa3: {  	v7 =	vmul.f32 v52, v7;
	vm2 =	vlt.s32 v45, v47;
	v49 =	vperm.xlane v21, v0  }
0xa4: {  	v13 =	vsel vm2, v45, v47;
	vm3 =	vlt.s32 v10, v48;
	v50 =	vadd.f32 v14, v44  }
0xa5: {  	v18 =	vperm.xlane v13, v1;
	vm2 =	vlt.s32 v21, v49;
	v10 =	vsel vm3, v10, v48  }
0xa6: {  	v52 =	vsel vm2, v21, v49;
	v53 =	vperm.xlane v10, v3;
	v51 =	vadd.f32 $9.999999710e-10, v50  }
0xa7: {  	v5 =	vsel vm1, v5, v12;
	vm2 =	vlt.s32 v13, v18;
	v54 =	vperm.xlane v52, v1  }
0xa8: {  	v13 =	vsel vm2, v13, v18;
	vm2 =	vlt.s32 v10, v53;
	(erf) = vrcp.f32 v51  }
0xa9: {  	v55 =	vperm.xlane v13, v2;
	v10 =	vsel vm2, v10, v53;
	vm2 =	vlt.s32 v52, v54  }
0xaa: {  	v8 =	vsel vm0, $0x0, v8;
	v56 =	vmul.f32 v63, v23;
	v18 =	vsel vm2, v52, v54  }
0xab: {  	v15 =	vmul.f32 v63, v17;
	vm2 =	vlt.s32 v13, v55;
	v57 =	vperm.xlane v18, v2  }
0xac: {  	v7 =	vsel vm1, v7, v8;
	v12 =	vsel vm0, $0x0, v56;
	v8 =	vsel vm2, v13, v55  }
0xad: {  	v12 =	vsel vm1, v15, v12;
	v58 =	vperm.xlane v8, v3;
	vm2 =	vlt.s32 v18, v57  }
0xae: {  	[tilespmem:s11+$0x8000] =	vst v7;
	v7 =	vmul.f32 v43, v27;
	v60 =	vmul.f32 v43, v36;
	v59 =	vsel vm2, v18, v57  }
0xaf: {  	[tilespmem:s11+$0x10000] =	vst v5;
	v10 =	vsel vm0, $0x0, v10;
	vm3 =	vlt.s32 v8, v58;
	v13 =	vperm.xlane v59, v3  }
0xb0: {  	[tilespmem:s12+$0x8000] =	vst v12;
	v7 =	vsel vm0, $0x0, v7;
	v6 =	vsel vm1, v6, v10;
	v5 =	vsel vm3, v8, v58  }
0xb1: {  	[tilespmem:s12+$0x10000] =	vst v6;
	v6 =	vsel vm1, v60, v7;
	v5 =	vsel vm0, $0x0, v5;
	vm2 =	vlt.s32 v59, v13;
	v61 =	vpop (erf)  }
0xb2: {  	[tilespmem:s13+$0x8000] =	vst v6;
	v5 =	vsel vm1, v11, v5;
	v6 =	vsel vm2, v59, v13;
	v62 =	vmul.f32 v61, v14  }
0xb3: {  	[tilespmem:s13+$0x10000] =	vst v5;
	v5 =	vsel vm0, $0x0, v6;
	v7 =	vmul.f32 v61, v44  }
0xb4: {  	v5 =	vsel vm1, v22, v5;
	v63 =	vsel vm0, $0x0, v62  }
0xb5: {  	[tilespmem:s14+$0x10000] =	vst v5;
	v6 =	vsel vm1, v7, v63  }
0xb6: {  	[tilespmem:s14+$0x8000] =	vst v6  }
0xb7: {  	[hbm4b:s4+s2] =	stream.linear.scatter [tilespmem:s8], [sflag:$0x1], $0x8000, $0x38;
	[tilespmem:$0x18000] =	vst v63  }
0xb8: {  	s10 =	sadd.s32 $0x1, s10;
	_ =	swait.ge [sflag:s7], $0x8000  }
0xb9: {  	p0 =	sne.s32 s10, s6;
	[sflag:s7] =	ssyncset.done $0x0  }
.Ltmp1:
0xba: {  	[sflag:s7] =	ssyncadd.s32 $0xFFFF8000;
	(pc) =	sbr.rel @p0 .LBB2_1-.Ltmp1, $4  }
0xbb: {  	[hbm4b:s5+s2] =	stream.linear.scatter [tilespmem:s9], [sflag:$0x1], $0x8000, $0x38;
	[tilespmem:$0x18000] =	vst v63  }
0xbc: {  	_ =	swait.ge [sflag:s7], $0x8000  }
0xbd: {  	[sflag:s7] =	ssyncset.done $0x0  }
0xbe: {  	[sflag:s7] =	ssyncadd.s32 $0xFFFF8000  }
0xbf: {  	_ =	sfence.sel $0x180000  }
0xc0: {  	[bflag:$0x0] =	sbarrier.arrive $0xFFFF  }
0xc1: {  	p0 =	sne.s32 s1, $0x0;
	_ =	strace $0x90000047  }
0xc2: {  	s0 =	sadd.s32 @!p0 $0x100000, s0;
	[bflag:$0x2] =	sbarrier.arrive $0xFFFF  }
0xc3: {  	[sflag:s0] =	ssyncadd.tile.s32 @!p0 $0x1;
	_ =	shalt  }
.Lfunc_end2:
_tile_overlayer_lowered:
.L_overlay_start_2:
0xc4: {  	(tag) =	ssettag $0x2  }
0xc5: {  	s0 =	rddreg [dreg:$0x0];
	s2 =	stileid.u32  }
0xc6: {  	s1 =	rddreg [dreg:$0x1];
	p0 =	sne.s32 s2, $0x0  }
0xc7: {  	s3 =	rddreg [dreg:$0x2];
	[bflag:$0x3] =	sbarrier.arrive $0xFFFF;
	s2 =	simm.s32 @!p0 $0x1C01  }
0xc8: {  	[timem:s3], [sflag:s2] =	dma.local @!p0 [hbm:s0], s1  }
0xc9: {  	s0 =	simm.s32 @!p0 $0x1  }
0xca: {  	_ =	swait.ge @!p0 [sflag:s0], s1  }
0xcb: {  	s1 =	ssub.s32 @!p0 $0x0, s1;
	[sflag:s0] =	ssyncset.done @!p0 $0x0  }
0xcc: {  	[sflag:s0] =	ssyncadd.s32 @!p0 s1  }
0xcd: {  	[bflag:$0x3] =	sbarrier.arrive $0xFFFF  }
0xce: {  	_ =	shalt  }

</sc_bundles>
